<compile_context>
chip_gen: v7x
topology: tpu7x:2x2x1
jax: 0.10.2.dev20260603
libtpu: 0.0.44.dev20260713+nightly
codegen_flags: <defaults>
</compile_context>

<pallas_src>
import functools

import jax
import jax.numpy as jnp
from jax import lax
from jax.experimental import pallas as pl
from jax.experimental.pallas import tpu as pltpu
from jax.experimental.pallas import tpu_sc as plsc

K = 1000000
OUT_F = 16384
IN_F = 64
B = OUT_F * IN_F

NC = 2
NS = 16
NW = NC * NS
BPW = B // NW
RPW = IN_F // NW

_MESH = plsc.VectorSubcoreMesh(
    core_axis_name="c", subcore_axis_name="s", num_cores=NC, num_subcores=NS
)


@functools.partial(
    pl.kernel,
    out_type=[
        jax.ShapeDtypeStruct((IN_F, OUT_F), jnp.float32),
        jax.ShapeDtypeStruct((IN_F, OUT_F), jnp.float32),
    ],
    mesh=_MESH,
    scratch_types=[
        pltpu.VMEM((BPW,), jnp.int32),
        pltpu.VMEM((OUT_F,), jnp.float32),
        pltpu.VMEM((OUT_F,), jnp.float32),
        pltpu.SemaphoreType.DMA,
        pltpu.SemaphoreType.DMA,
    ],
)
def _sc_gather(mu_hbm, rho_hbm, idx_hbm, mug_hbm, rhog_hbm,
               idx_v, mug_v, rhog_v, sem_mu, sem_rho):
    wid = lax.axis_index("s") * NC + lax.axis_index("c")
    base = wid * BPW
    pltpu.sync_copy(idx_hbm.at[pl.ds(base, BPW)], idx_v)
    for r in range(RPW):
        row_idx = idx_v.at[pl.ds(r * OUT_F, OUT_F)]
        cp_mu = pltpu.async_copy(mu_hbm.at[0].at[row_idx], mug_v, sem_mu)
        cp_rho = pltpu.async_copy(rho_hbm.at[0].at[row_idx], rhog_v, sem_rho)
        row = wid * RPW + r
        cp_mu.wait()
        pltpu.sync_copy(mug_v, mug_hbm.at[row, pl.ds(0, OUT_F)])
        cp_rho.wait()
        pltpu.sync_copy(rhog_v, rhog_hbm.at[row, pl.ds(0, OUT_F)])


_BLK = 8192


def _tc_finish_body(mu_ref, rho_ref, eps_ref, out_ref):
    sigma = jnp.log1p(jnp.exp(rho_ref[...]))
    out_ref[...] = mu_ref[...] + sigma * eps_ref[...]


_tc_finish = pl.pallas_call(
    _tc_finish_body,
    grid=(OUT_F // _BLK,),
    in_specs=[
        pl.BlockSpec((IN_F, _BLK), lambda i: (0, i)),
        pl.BlockSpec((IN_F, _BLK), lambda i: (0, i)),
        pl.BlockSpec((IN_F, _BLK), lambda i: (0, i)),
    ],
    out_specs=pl.BlockSpec((IN_F, _BLK), lambda i: (0, i)),
    out_shape=jax.ShapeDtypeStruct((IN_F, OUT_F), jnp.float32),
)


def kernel(weight_mu_share, weight_rho_share, eps_w, indices):
    idx_t = jnp.transpose(indices[0], (1, 0)).reshape(B)
    eps_t = jnp.transpose(eps_w[0], (1, 0))
    mu_g, rho_g = _sc_gather(weight_mu_share, weight_rho_share, idx_t)
    return _tc_finish(mu_g, rho_g, eps_t)

# --- scband reference (transcript-rebuilt; emitter-appended) ---
"""Pipeline reference for scband-trainable-random-distribution-weight-share-24275155157182 (READ-ONLY COPY).

The authoritative reference and input builder live on the scoring server;
editing this copy changes nothing except your own understanding.
"""

import jax, jax.numpy as jnp
import numpy as np

K = 1000000
OUT_F = 16384
IN_F = 64


def setup_inputs(seed: int = 0) -> dict:
    key = jax.random.key(seed)
    k1, k2, k3, k4 = jax.random.split(key, 4)
    weight_mu_share = jax.random.normal(k1, (1, K), dtype=jnp.float32) * 0.1
    weight_rho_share = jax.random.normal(k2, (1, K), dtype=jnp.float32) - 3.0
    eps_w = jax.random.normal(k3, (1, OUT_F, IN_F), dtype=jnp.float32)
    indices = jax.random.randint(k4, (1, OUT_F, IN_F), 0, K, dtype=jnp.int32)
    return {
        'weight_mu_share': weight_mu_share,
        'weight_rho_share': weight_rho_share,
        'eps_w': eps_w,
        'indices': indices,
    }


def reference(weight_mu_share, weight_rho_share, eps_w, indices):
    # gather_nd with batch_dim=1 and a single batch (dim0 == 1): flat index == raw index
    flat = indices.reshape(-1)
    # gather2D: gather shared weights at (possibly repeated) indices -> weight sharing
    mu = jnp.take(weight_mu_share.reshape(-1), flat, axis=0).reshape(indices.shape)
    rho = jnp.take(weight_rho_share.reshape(-1), flat, axis=0).reshape(indices.shape)
    # sample(): reparameterized sample with softplus sigma
    sigma = jnp.log1p(jnp.exp(rho))
    w = mu + sigma * eps_w
    # return self.w[0].permute(1, 0)
    return jnp.transpose(w[0], (1, 0))

if __name__ == "__main__":
    import jax
    _d = setup_inputs()
    print(jax.jit(kernel)(*tuple(_d.values())))

</pallas_src>

<mosaic_0001>
#map = affine_map<(d0, d1) -> (0, 0)>
#map1 = affine_map<(d0, d1) -> (0)>
module attributes {stable_mosaic.version = 14 : i64} {
  func.func @_sc_gather(%arg0: i32, %arg1: i32, %arg2: memref<1x1000000xf32, #tpu.memory_space<hbm>>, %arg3: memref<1x1000000xf32, #tpu.memory_space<hbm>>, %arg4: memref<1048576xi32, #tpu.memory_space<hbm>>, %arg5: memref<64x16384xf32, #tpu.memory_space<hbm>>, %arg6: memref<64x16384xf32, #tpu.memory_space<hbm>>, %arg7: memref<32768xi32, #tpu.memory_space<vmem>>, %arg8: memref<16384xf32, #tpu.memory_space<vmem>>, %arg9: memref<16384xf32, #tpu.memory_space<vmem>>, %arg10: memref<!tpu.dma_semaphore, #tpu.memory_space<semaphore_mem>>, %arg11: memref<!tpu.dma_semaphore, #tpu.memory_space<semaphore_mem>>) attributes {dimension_semantics = [#tpu.dimension_semantics<core_parallel>, #tpu.dimension_semantics<subcore_parallel>], iteration_bounds = array<i64: 2, 16>, scalar_prefetch = 0 : i64, scratch_operands = 5 : i64, tpu.core_type = #tpu.core_type<sc_vector_subcore>, window_params = [{transform_indices = #map}, {transform_indices = #map}, {transform_indices = #map1}, {transform_indices = #map}, {transform_indices = #map}]} {
    %mul3A = arith.constant 2 : i32
    %mul3A_0 = arith.muli %arg1, %mul3A : i32
    %add3A = arith.addi %mul3A_0, %arg0 : i32
    %mul3A_1 = arith.constant 32768 : i32
    %mul3A_2 = arith.muli %add3A, %mul3A_1 : i32
    "tpu.region"() ({
      %run_scoped3A = tpu.sem_alloc : memref<!tpu.dma_semaphore, #tpu.memory_space<semaphore_mem>>
      %dma_start3A_73 = tpu.memref_slice %arg4[%mul3A_2] : memref<1048576xi32, #tpu.memory_space<hbm>> -> memref<32768xi32, #tpu.memory_space<hbm>>
      %dma_start3A_74 = tpu.memref_slice %arg4[%mul3A_2] : memref<1048576xi32, #tpu.memory_space<hbm>> -> memref<32768xi32, #tpu.memory_space<hbm>>
      tpu.enqueue_dma source(%dma_start3A_74 : memref<32768xi32, #tpu.memory_space<hbm>>) target(%arg7 : memref<32768xi32, #tpu.memory_space<vmem>>) target_semaphore(%run_scoped3A : memref<!tpu.dma_semaphore, #tpu.memory_space<semaphore_mem>>)
      %dma_wait3A_75 = tpu.memref_slice %arg4[%mul3A_2] : memref<1048576xi32, #tpu.memory_space<hbm>> -> memref<32768xi32, #tpu.memory_space<hbm>>
      %dma_wait3A_76 = tpu.memref_slice %arg4[%mul3A_2] : memref<1048576xi32, #tpu.memory_space<hbm>> -> memref<32768xi32, #tpu.memory_space<hbm>>
      tpu.wait_dma2 semaphore(%run_scoped3A : memref<!tpu.dma_semaphore, #tpu.memory_space<semaphore_mem>>) src(%dma_wait3A_76 : memref<32768xi32, #tpu.memory_space<hbm>>) dst(%arg7 : memref<32768xi32, #tpu.memory_space<vmem>>)
      tpu.yield
    }) : () -> ()
    %dma_start3A = arith.constant 0 : i32
    %dma_start3A_3 = arith.constant 0 : i32
    %dma_start3A_4 = tpu.memref_slice %arg7[%dma_start3A_3] : memref<32768xi32, #tpu.memory_space<vmem>> -> memref<16384xi32, #tpu.memory_space<vmem>>
    %dma_start3A_5 = arith.constant 0 : i32
    %dma_start3A_6 = tpu.memref_slice %arg2[%dma_start3A, %dma_start3A_5] : memref<1x1000000xf32, #tpu.memory_space<hbm>> -> memref<1x1000000xf32, #tpu.memory_space<hbm>>
    %dma_start3A_7 = tpu.memref_squeeze %dma_start3A_6 : memref<1x1000000xf32, #tpu.memory_space<hbm>> -> memref<1000000xf32, #tpu.memory_space<hbm>>
    %dma_start3A_8 = arith.constant 0 : i32
    %dma_start3A_9 = tpu.memref_slice %dma_start3A_7[%dma_start3A_8] : memref<1000000xf32, #tpu.memory_space<hbm>> -> memref<1000000xf32, #tpu.memory_space<hbm>>
    tpu.enqueue_indirect_dma source(%dma_start3A_9 : memref<1000000xf32, #tpu.memory_space<hbm>>) target(%arg8 : memref<16384xf32, #tpu.memory_space<vmem>>) offsets(%dma_start3A_4 : memref<16384xi32, #tpu.memory_space<vmem>>) semaphore(%arg10 : memref<!tpu.dma_semaphore, #tpu.memory_space<semaphore_mem>>)
    %dma_start3A_10 = arith.constant 0 : i32
    %dma_start3A_11 = arith.constant 0 : i32
    %dma_start3A_12 = tpu.memref_slice %arg7[%dma_start3A_11] : memref<32768xi32, #tpu.memory_space<vmem>> -> memref<16384xi32, #tpu.memory_space<vmem>>
    %dma_start3A_13 = arith.constant 0 : i32
    %dma_start3A_14 = tpu.memref_slice %arg3[%dma_start3A_10, %dma_start3A_13] : memref<1x1000000xf32, #tpu.memory_space<hbm>> -> memref<1x1000000xf32, #tpu.memory_space<hbm>>
    %dma_start3A_15 = tpu.memref_squeeze %dma_start3A_14 : memref<1x1000000xf32, #tpu.memory_space<hbm>> -> memref<1000000xf32, #tpu.memory_space<hbm>>
    %dma_start3A_16 = arith.constant 0 : i32
    %dma_start3A_17 = tpu.memref_slice %dma_start3A_15[%dma_start3A_16] : memref<1000000xf32, #tpu.memory_space<hbm>> -> memref<1000000xf32, #tpu.memory_space<hbm>>
    tpu.enqueue_indirect_dma source(%dma_start3A_17 : memref<1000000xf32, #tpu.memory_space<hbm>>) target(%arg9 : memref<16384xf32, #tpu.memory_space<vmem>>) offsets(%dma_start3A_12 : memref<16384xi32, #tpu.memory_space<vmem>>) semaphore(%arg11 : memref<!tpu.dma_semaphore, #tpu.memory_space<semaphore_mem>>)
    %mul3A_18 = arith.constant 2 : i32
    %mul3A_19 = arith.muli %add3A, %mul3A_18 : i32
    %add3A_20 = arith.constant 0 : i32
    %add3A_21 = arith.addi %mul3A_19, %add3A_20 : i32
    %dma_wait3A = arith.constant 0 : i32
    %dma_wait3A_22 = arith.constant 0 : i32
    %dma_wait3A_23 = tpu.memref_slice %arg7[%dma_wait3A_22] : memref<32768xi32, #tpu.memory_space<vmem>> -> memref<16384xi32, #tpu.memory_space<vmem>>
    %dma_wait3A_24 = arith.constant 0 : i32
    %dma_wait3A_25 = tpu.memref_slice %arg2[%dma_wait3A, %dma_wait3A_24] : memref<1x1000000xf32, #tpu.memory_space<hbm>> -> memref<1x1000000xf32, #tpu.memory_space<hbm>>
    %dma_wait3A_26 = tpu.memref_squeeze %dma_wait3A_25 : memref<1x1000000xf32, #tpu.memory_space<hbm>> -> memref<1000000xf32, #tpu.memory_space<hbm>>
    %dma_wait3A_27 = arith.constant 0 : i32
    %dma_wait3A_28 = tpu.memref_slice %dma_wait3A_26[%dma_wait3A_27] : memref<1000000xf32, #tpu.memory_space<hbm>> -> memref<1000000xf32, #tpu.memory_space<hbm>>
    tpu.wait_indirect_dma semaphore(%arg10 : memref<!tpu.dma_semaphore, #tpu.memory_space<semaphore_mem>>) src(%dma_wait3A_28 : memref<1000000xf32, #tpu.memory_space<hbm>>) dst(%arg8 : memref<16384xf32, #tpu.memory_space<vmem>>)
    "tpu.region"() ({
      %run_scoped3A = tpu.sem_alloc : memref<!tpu.dma_semaphore, #tpu.memory_space<semaphore_mem>>
      %dma_start3A_73 = arith.constant 0 : i32
      %dma_start3A_74 = tpu.memref_slice %arg5[%add3A_21, %dma_start3A_73] : memref<64x16384xf32, #tpu.memory_space<hbm>> -> memref<1x16384xf32, #tpu.memory_space<hbm>>
      %dma_start3A_75 = tpu.memref_squeeze %dma_start3A_74 : memref<1x16384xf32, #tpu.memory_space<hbm>> -> memref<16384xf32, #tpu.memory_space<hbm>>
      %dma_start3A_76 = arith.constant 0 : i32
      %dma_start3A_77 = tpu.memref_slice %arg5[%add3A_21, %dma_start3A_76] : memref<64x16384xf32, #tpu.memory_space<hbm>> -> memref<1x16384xf32, #tpu.memory_space<hbm>>
      %dma_start3A_78 = tpu.memref_squeeze %dma_start3A_77 : memref<1x16384xf32, #tpu.memory_space<hbm>> -> memref<16384xf32, #tpu.memory_space<hbm>>
      tpu.enqueue_dma source(%arg8 : memref<16384xf32, #tpu.memory_space<vmem>>) target(%dma_start3A_78 : memref<16384xf32, #tpu.memory_space<hbm>>) target_semaphore(%run_scoped3A : memref<!tpu.dma_semaphore, #tpu.memory_space<semaphore_mem>>)
      %dma_wait3A_79 = arith.constant 0 : i32
      %dma_wait3A_80 = tpu.memref_slice %arg5[%add3A_21, %dma_wait3A_79] : memref<64x16384xf32, #tpu.memory_space<hbm>> -> memref<1x16384xf32, #tpu.memory_space<hbm>>
      %dma_wait3A_81 = tpu.memref_squeeze %dma_wait3A_80 : memref<1x16384xf32, #tpu.memory_space<hbm>> -> memref<16384xf32, #tpu.memory_space<hbm>>
      %dma_wait3A_82 = arith.constant 0 : i32
      %dma_wait3A_83 = tpu.memref_slice %arg5[%add3A_21, %dma_wait3A_82] : memref<64x16384xf32, #tpu.memory_space<hbm>> -> memref<1x16384xf32, #tpu.memory_space<hbm>>
      %dma_wait3A_84 = tpu.memref_squeeze %dma_wait3A_83 : memref<1x16384xf32, #tpu.memory_space<hbm>> -> memref<16384xf32, #tpu.memory_space<hbm>>
      tpu.wait_dma2 semaphore(%run_scoped3A : memref<!tpu.dma_semaphore, #tpu.memory_space<semaphore_mem>>) src(%arg8 : memref<16384xf32, #tpu.memory_space<vmem>>) dst(%dma_wait3A_84 : memref<16384xf32, #tpu.memory_space<hbm>>)
      tpu.yield
    }) : () -> ()
    %dma_wait3A_29 = arith.constant 0 : i32
    %dma_wait3A_30 = arith.constant 0 : i32
    %dma_wait3A_31 = tpu.memref_slice %arg7[%dma_wait3A_30] : memref<32768xi32, #tpu.memory_space<vmem>> -> memref<16384xi32, #tpu.memory_space<vmem>>
    %dma_wait3A_32 = arith.constant 0 : i32
    %dma_wait3A_33 = tpu.memref_slice %arg3[%dma_wait3A_29, %dma_wait3A_32] : memref<1x1000000xf32, #tpu.memory_space<hbm>> -> memref<1x1000000xf32, #tpu.memory_space<hbm>>
    %dma_wait3A_34 = tpu.memref_squeeze %dma_wait3A_33 : memref<1x1000000xf32, #tpu.memory_space<hbm>> -> memref<1000000xf32, #tpu.memory_space<hbm>>
    %dma_wait3A_35 = arith.constant 0 : i32
    %dma_wait3A_36 = tpu.memref_slice %dma_wait3A_34[%dma_wait3A_35] : memref<1000000xf32, #tpu.memory_space<hbm>> -> memref<1000000xf32, #tpu.memory_space<hbm>>
    tpu.wait_indirect_dma semaphore(%arg11 : memref<!tpu.dma_semaphore, #tpu.memory_space<semaphore_mem>>) src(%dma_wait3A_36 : memref<1000000xf32, #tpu.memory_space<hbm>>) dst(%arg9 : memref<16384xf32, #tpu.memory_space<vmem>>)
    "tpu.region"() ({
      %run_scoped3A = tpu.sem_alloc : memref<!tpu.dma_semaphore, #tpu.memory_space<semaphore_mem>>
      %dma_start3A_73 = arith.constant 0 : i32
      %dma_start3A_74 = tpu.memref_slice %arg6[%add3A_21, %dma_start3A_73] : memref<64x16384xf32, #tpu.memory_space<hbm>> -> memref<1x16384xf32, #tpu.memory_space<hbm>>
      %dma_start3A_75 = tpu.memref_squeeze %dma_start3A_74 : memref<1x16384xf32, #tpu.memory_space<hbm>> -> memref<16384xf32, #tpu.memory_space<hbm>>
      %dma_start3A_76 = arith.constant 0 : i32
      %dma_start3A_77 = tpu.memref_slice %arg6[%add3A_21, %dma_start3A_76] : memref<64x16384xf32, #tpu.memory_space<hbm>> -> memref<1x16384xf32, #tpu.memory_space<hbm>>
      %dma_start3A_78 = tpu.memref_squeeze %dma_start3A_77 : memref<1x16384xf32, #tpu.memory_space<hbm>> -> memref<16384xf32, #tpu.memory_space<hbm>>
      tpu.enqueue_dma source(%arg9 : memref<16384xf32, #tpu.memory_space<vmem>>) target(%dma_start3A_78 : memref<16384xf32, #tpu.memory_space<hbm>>) target_semaphore(%run_scoped3A : memref<!tpu.dma_semaphore, #tpu.memory_space<semaphore_mem>>)
      %dma_wait3A_79 = arith.constant 0 : i32
      %dma_wait3A_80 = tpu.memref_slice %arg6[%add3A_21, %dma_wait3A_79] : memref<64x16384xf32, #tpu.memory_space<hbm>> -> memref<1x16384xf32, #tpu.memory_space<hbm>>
      %dma_wait3A_81 = tpu.memref_squeeze %dma_wait3A_80 : memref<1x16384xf32, #tpu.memory_space<hbm>> -> memref<16384xf32, #tpu.memory_space<hbm>>
      %dma_wait3A_82 = arith.constant 0 : i32
      %dma_wait3A_83 = tpu.memref_slice %arg6[%add3A_21, %dma_wait3A_82] : memref<64x16384xf32, #tpu.memory_space<hbm>> -> memref<1x16384xf32, #tpu.memory_space<hbm>>
      %dma_wait3A_84 = tpu.memref_squeeze %dma_wait3A_83 : memref<1x16384xf32, #tpu.memory_space<hbm>> -> memref<16384xf32, #tpu.memory_space<hbm>>
      tpu.wait_dma2 semaphore(%run_scoped3A : memref<!tpu.dma_semaphore, #tpu.memory_space<semaphore_mem>>) src(%arg9 : memref<16384xf32, #tpu.memory_space<vmem>>) dst(%dma_wait3A_84 : memref<16384xf32, #tpu.memory_space<hbm>>)
      tpu.yield
    }) : () -> ()
    %dma_start3A_37 = arith.constant 0 : i32
    %dma_start3A_38 = arith.constant 16384 : i32
    %dma_start3A_39 = tpu.memref_slice %arg7[%dma_start3A_38] : memref<32768xi32, #tpu.memory_space<vmem>> -> memref<16384xi32, #tpu.memory_space<vmem>>
    %dma_start3A_40 = arith.constant 0 : i32
    %dma_start3A_41 = tpu.memref_slice %arg2[%dma_start3A_37, %dma_start3A_40] : memref<1x1000000xf32, #tpu.memory_space<hbm>> -> memref<1x1000000xf32, #tpu.memory_space<hbm>>
    %dma_start3A_42 = tpu.memref_squeeze %dma_start3A_41 : memref<1x1000000xf32, #tpu.memory_space<hbm>> -> memref<1000000xf32, #tpu.memory_space<hbm>>
    %dma_start3A_43 = arith.constant 0 : i32
    %dma_start3A_44 = tpu.memref_slice %dma_start3A_42[%dma_start3A_43] : memref<1000000xf32, #tpu.memory_space<hbm>> -> memref<1000000xf32, #tpu.memory_space<hbm>>
    tpu.enqueue_indirect_dma source(%dma_start3A_44 : memref<1000000xf32, #tpu.memory_space<hbm>>) target(%arg8 : memref<16384xf32, #tpu.memory_space<vmem>>) offsets(%dma_start3A_39 : memref<16384xi32, #tpu.memory_space<vmem>>) semaphore(%arg10 : memref<!tpu.dma_semaphore, #tpu.memory_space<semaphore_mem>>)
    %dma_start3A_45 = arith.constant 0 : i32
    %dma_start3A_46 = arith.constant 16384 : i32
    %dma_start3A_47 = tpu.memref_slice %arg7[%dma_start3A_46] : memref<32768xi32, #tpu.memory_space<vmem>> -> memref<16384xi32, #tpu.memory_space<vmem>>
    %dma_start3A_48 = arith.constant 0 : i32
    %dma_start3A_49 = tpu.memref_slice %arg3[%dma_start3A_45, %dma_start3A_48] : memref<1x1000000xf32, #tpu.memory_space<hbm>> -> memref<1x1000000xf32, #tpu.memory_space<hbm>>
    %dma_start3A_50 = tpu.memref_squeeze %dma_start3A_49 : memref<1x1000000xf32, #tpu.memory_space<hbm>> -> memref<1000000xf32, #tpu.memory_space<hbm>>
    %dma_start3A_51 = arith.constant 0 : i32
    %dma_start3A_52 = tpu.memref_slice %dma_start3A_50[%dma_start3A_51] : memref<1000000xf32, #tpu.memory_space<hbm>> -> memref<1000000xf32, #tpu.memory_space<hbm>>
    tpu.enqueue_indirect_dma source(%dma_start3A_52 : memref<1000000xf32, #tpu.memory_space<hbm>>) target(%arg9 : memref<16384xf32, #tpu.memory_space<vmem>>) offsets(%dma_start3A_47 : memref<16384xi32, #tpu.memory_space<vmem>>) semaphore(%arg11 : memref<!tpu.dma_semaphore, #tpu.memory_space<semaphore_mem>>)
    %mul3A_53 = arith.constant 2 : i32
    %mul3A_54 = arith.muli %add3A, %mul3A_53 : i32
    %add3A_55 = arith.constant 1 : i32
    %add3A_56 = arith.addi %mul3A_54, %add3A_55 : i32
    %dma_wait3A_57 = arith.constant 0 : i32
    %dma_wait3A_58 = arith.constant 16384 : i32
    %dma_wait3A_59 = tpu.memref_slice %arg7[%dma_wait3A_58] : memref<32768xi32, #tpu.memory_space<vmem>> -> memref<16384xi32, #tpu.memory_space<vmem>>
    %dma_wait3A_60 = arith.constant 0 : i32
    %dma_wait3A_61 = tpu.memref_slice %arg2[%dma_wait3A_57, %dma_wait3A_60] : memref<1x1000000xf32, #tpu.memory_space<hbm>> -> memref<1x1000000xf32, #tpu.memory_space<hbm>>
    %dma_wait3A_62 = tpu.memref_squeeze %dma_wait3A_61 : memref<1x1000000xf32, #tpu.memory_space<hbm>> -> memref<1000000xf32, #tpu.memory_space<hbm>>
    %dma_wait3A_63 = arith.constant 0 : i32
    %dma_wait3A_64 = tpu.memref_slice %dma_wait3A_62[%dma_wait3A_63] : memref<1000000xf32, #tpu.memory_space<hbm>> -> memref<1000000xf32, #tpu.memory_space<hbm>>
    tpu.wait_indirect_dma semaphore(%arg10 : memref<!tpu.dma_semaphore, #tpu.memory_space<semaphore_mem>>) src(%dma_wait3A_64 : memref<1000000xf32, #tpu.memory_space<hbm>>) dst(%arg8 : memref<16384xf32, #tpu.memory_space<vmem>>)
    "tpu.region"() ({
      %run_scoped3A = tpu.sem_alloc : memref<!tpu.dma_semaphore, #tpu.memory_space<semaphore_mem>>
      %dma_start3A_73 = arith.constant 0 : i32
      %dma_start3A_74 = tpu.memref_slice %arg5[%add3A_56, %dma_start3A_73] : memref<64x16384xf32, #tpu.memory_space<hbm>> -> memref<1x16384xf32, #tpu.memory_space<hbm>>
      %dma_start3A_75 = tpu.memref_squeeze %dma_start3A_74 : memref<1x16384xf32, #tpu.memory_space<hbm>> -> memref<16384xf32, #tpu.memory_space<hbm>>
      %dma_start3A_76 = arith.constant 0 : i32
      %dma_start3A_77 = tpu.memref_slice %arg5[%add3A_56, %dma_start3A_76] : memref<64x16384xf32, #tpu.memory_space<hbm>> -> memref<1x16384xf32, #tpu.memory_space<hbm>>
      %dma_start3A_78 = tpu.memref_squeeze %dma_start3A_77 : memref<1x16384xf32, #tpu.memory_space<hbm>> -> memref<16384xf32, #tpu.memory_space<hbm>>
      tpu.enqueue_dma source(%arg8 : memref<16384xf32, #tpu.memory_space<vmem>>) target(%dma_start3A_78 : memref<16384xf32, #tpu.memory_space<hbm>>) target_semaphore(%run_scoped3A : memref<!tpu.dma_semaphore, #tpu.memory_space<semaphore_mem>>)
      %dma_wait3A_79 = arith.constant 0 : i32
      %dma_wait3A_80 = tpu.memref_slice %arg5[%add3A_56, %dma_wait3A_79] : memref<64x16384xf32, #tpu.memory_space<hbm>> -> memref<1x16384xf32, #tpu.memory_space<hbm>>
      %dma_wait3A_81 = tpu.memref_squeeze %dma_wait3A_80 : memref<1x16384xf32, #tpu.memory_space<hbm>> -> memref<16384xf32, #tpu.memory_space<hbm>>
      %dma_wait3A_82 = arith.constant 0 : i32
      %dma_wait3A_83 = tpu.memref_slice %arg5[%add3A_56, %dma_wait3A_82] : memref<64x16384xf32, #tpu.memory_space<hbm>> -> memref<1x16384xf32, #tpu.memory_space<hbm>>
      %dma_wait3A_84 = tpu.memref_squeeze %dma_wait3A_83 : memref<1x16384xf32, #tpu.memory_space<hbm>> -> memref<16384xf32, #tpu.memory_space<hbm>>
      tpu.wait_dma2 semaphore(%run_scoped3A : memref<!tpu.dma_semaphore, #tpu.memory_space<semaphore_mem>>) src(%arg8 : memref<16384xf32, #tpu.memory_space<vmem>>) dst(%dma_wait3A_84 : memref<16384xf32, #tpu.memory_space<hbm>>)
      tpu.yield
    }) : () -> ()
    %dma_wait3A_65 = arith.constant 0 : i32
    %dma_wait3A_66 = arith.constant 16384 : i32
    %dma_wait3A_67 = tpu.memref_slice %arg7[%dma_wait3A_66] : memref<32768xi32, #tpu.memory_space<vmem>> -> memref<16384xi32, #tpu.memory_space<vmem>>
    %dma_wait3A_68 = arith.constant 0 : i32
    %dma_wait3A_69 = tpu.memref_slice %arg3[%dma_wait3A_65, %dma_wait3A_68] : memref<1x1000000xf32, #tpu.memory_space<hbm>> -> memref<1x1000000xf32, #tpu.memory_space<hbm>>
    %dma_wait3A_70 = tpu.memref_squeeze %dma_wait3A_69 : memref<1x1000000xf32, #tpu.memory_space<hbm>> -> memref<1000000xf32, #tpu.memory_space<hbm>>
    %dma_wait3A_71 = arith.constant 0 : i32
    %dma_wait3A_72 = tpu.memref_slice %dma_wait3A_70[%dma_wait3A_71] : memref<1000000xf32, #tpu.memory_space<hbm>> -> memref<1000000xf32, #tpu.memory_space<hbm>>
    tpu.wait_indirect_dma semaphore(%arg11 : memref<!tpu.dma_semaphore, #tpu.memory_space<semaphore_mem>>) src(%dma_wait3A_72 : memref<1000000xf32, #tpu.memory_space<hbm>>) dst(%arg9 : memref<16384xf32, #tpu.memory_space<vmem>>)
    "tpu.region"() ({
      %run_scoped3A = tpu.sem_alloc : memref<!tpu.dma_semaphore, #tpu.memory_space<semaphore_mem>>
      %dma_start3A_73 = arith.constant 0 : i32
      %dma_start3A_74 = tpu.memref_slice %arg6[%add3A_56, %dma_start3A_73] : memref<64x16384xf32, #tpu.memory_space<hbm>> -> memref<1x16384xf32, #tpu.memory_space<hbm>>
      %dma_start3A_75 = tpu.memref_squeeze %dma_start3A_74 : memref<1x16384xf32, #tpu.memory_space<hbm>> -> memref<16384xf32, #tpu.memory_space<hbm>>
      %dma_start3A_76 = arith.constant 0 : i32
      %dma_start3A_77 = tpu.memref_slice %arg6[%add3A_56, %dma_start3A_76] : memref<64x16384xf32, #tpu.memory_space<hbm>> -> memref<1x16384xf32, #tpu.memory_space<hbm>>
      %dma_start3A_78 = tpu.memref_squeeze %dma_start3A_77 : memref<1x16384xf32, #tpu.memory_space<hbm>> -> memref<16384xf32, #tpu.memory_space<hbm>>
      tpu.enqueue_dma source(%arg9 : memref<16384xf32, #tpu.memory_space<vmem>>) target(%dma_start3A_78 : memref<16384xf32, #tpu.memory_space<hbm>>) target_semaphore(%run_scoped3A : memref<!tpu.dma_semaphore, #tpu.memory_space<semaphore_mem>>)
      %dma_wait3A_79 = arith.constant 0 : i32
      %dma_wait3A_80 = tpu.memref_slice %arg6[%add3A_56, %dma_wait3A_79] : memref<64x16384xf32, #tpu.memory_space<hbm>> -> memref<1x16384xf32, #tpu.memory_space<hbm>>
      %dma_wait3A_81 = tpu.memref_squeeze %dma_wait3A_80 : memref<1x16384xf32, #tpu.memory_space<hbm>> -> memref<16384xf32, #tpu.memory_space<hbm>>
      %dma_wait3A_82 = arith.constant 0 : i32
      %dma_wait3A_83 = tpu.memref_slice %arg6[%add3A_56, %dma_wait3A_82] : memref<64x16384xf32, #tpu.memory_space<hbm>> -> memref<1x16384xf32, #tpu.memory_space<hbm>>
      %dma_wait3A_84 = tpu.memref_squeeze %dma_wait3A_83 : memref<1x16384xf32, #tpu.memory_space<hbm>> -> memref<16384xf32, #tpu.memory_space<hbm>>
      tpu.wait_dma2 semaphore(%run_scoped3A : memref<!tpu.dma_semaphore, #tpu.memory_space<semaphore_mem>>) src(%arg9 : memref<16384xf32, #tpu.memory_space<vmem>>) dst(%dma_wait3A_84 : memref<16384xf32, #tpu.memory_space<hbm>>)
      tpu.yield
    }) : () -> ()
    return
  }
}

module attributes {stable_mosaic.version = 14 : i64} {
  func.func @_tc_finish_body(%arg0: i32, %arg1: memref<64x8192xf32, #tpu.memory_space<vmem>>, %arg2: memref<64x8192xf32, #tpu.memory_space<vmem>>, %arg3: memref<64x8192xf32, #tpu.memory_space<vmem>>, %arg4: memref<64x8192xf32, #tpu.memory_space<vmem>>) attributes {dimension_semantics = [#tpu.dimension_semantics<arbitrary>], iteration_bounds = array<i64: 2>, scalar_prefetch = 0 : i64, scratch_operands = 0 : i64, tpu.core_type = #tpu.core_type<tc>, window_params = [{transform_indices = @transform_0, window_bounds = array<i64: 64, 8192>}, {transform_indices = @transform_1, window_bounds = array<i64: 64, 8192>}, {transform_indices = @transform_2, window_bounds = array<i64: 64, 8192>}, {transform_indices = @transform_3, window_bounds = array<i64: 64, 8192>}]} {
    %get3A = arith.constant 0 : index
    %get3A_0 = arith.constant 0 : index
    %get3A_1 = vector.load %arg2[%get3A, %get3A_0] : memref<64x8192xf32, #tpu.memory_space<vmem>>, vector<64x8192xf32>
    %exp3A = math.exp %get3A_1 : vector<64x8192xf32>
    %log1p3A = math.log1p %exp3A : vector<64x8192xf32>
    %get3A_2 = arith.constant 0 : index
    %get3A_3 = arith.constant 0 : index
    %get3A_4 = vector.load %arg1[%get3A_2, %get3A_3] : memref<64x8192xf32, #tpu.memory_space<vmem>>, vector<64x8192xf32>
    %get3A_5 = arith.constant 0 : index
    %get3A_6 = arith.constant 0 : index
    %get3A_7 = vector.load %arg3[%get3A_5, %get3A_6] : memref<64x8192xf32, #tpu.memory_space<vmem>>, vector<64x8192xf32>
    %mul3A = arith.mulf %log1p3A, %get3A_7 : vector<64x8192xf32>
    %add3A = arith.addf %get3A_4, %mul3A : vector<64x8192xf32>
    %swap3A = arith.constant 0 : index
    %swap3A_8 = arith.constant 0 : index
    %swap3A_9 = vector.load %arg4[%swap3A, %swap3A_8] : memref<64x8192xf32, #tpu.memory_space<vmem>>, vector<64x8192xf32>
    tpu.vector_store %arg4[%swap3A, %swap3A_8], %add3A {strides = array<i32>} : memref<64x8192xf32, #tpu.memory_space<vmem>>, vector<64x8192xf32>,
    return
  }
  func.func @transform_0(%arg0: i32) -> (i32, i32) {
    %c0_i32 = arith.constant 0 : i32
    %c0_i32_0 = arith.constant 0 : i32
    return %c0_i32, %arg0 : i32, i32
  }
  func.func @transform_1(%arg0: i32) -> (i32, i32) {
    %c0_i32 = arith.constant 0 : i32
    %c0_i32_0 = arith.constant 0 : i32
    return %c0_i32, %arg0 : i32, i32
  }
  func.func @transform_2(%arg0: i32) -> (i32, i32) {
    %c0_i32 = arith.constant 0 : i32
    %c0_i32_0 = arith.constant 0 : i32
    return %c0_i32, %arg0 : i32, i32
  }
  func.func @transform_3(%arg0: i32) -> (i32, i32) {
    %c0_i32 = arith.constant 0 : i32
    %c0_i32_0 = arith.constant 0 : i32
    return %c0_i32, %arg0 : i32, i32
  }
}

</mosaic_0001>

<sc_bundles>
// kernel: kernel.4.cloned.1.call-start
scs
__scs_entry_jumppad:
0x0: {  	(pc) =	sbr.rel $0x88, $3  }
0x1: {  	(tag) =	ssettag $0x0;
	lr =	simm.s32 $0x1  }
0x2: {  	[smem:$0x3F9D] =	sst lr;
	_ =	strace $0xD0000000  }
0x3: {  	_ = 	snop  }
0x4: {  	_ = 	snop  }
0x5: {  	_ = 	snop  }
0x6: {  	_ = 	snop  }
0x7: {  	_ = 	snop  }
__scs_overlays_trampoline_lowered:
0x8: {  	[smem:$0x3FAC] =	sst s0  }
0x9: {  	[smem:$0x3FAD] =	sst s1  }
0xa: {  	[smem:$0x3FAE] =	sst s2  }
0xb: {  	[smem:$0x3FAF] =	sst s3  }
0xc: {  	[smem:$0x3FB0] =	sst s4  }
0xd: {  	[smem:$0x3FB1] =	sst s5  }
0xe: {  	[smem:$0x3FB2] =	sst s6  }
0xf: {  	[smem:$0x3FB3] =	sst s7  }
0x10: {  	[smem:$0x3FB4] =	sst s8  }
0x11: {  	[smem:$0x3FB5] =	sst s9;
	s0 =	simm.s32 @!p0 $0x0  }
0x12: {  	s1 =	sld [smem:$0x3F9B];
	s0 =	simm.s32 @p0 $0x1  }
0x13: {  	[smem:$0x3FB6] =	sst s0;
	s0 =	simm.s32 @!p1 $0x0  }
0x14: {  	s2 =	sld [smem:$0x3F9A];
	s0 =	simm.s32 @p1 $0x1  }
0x15: {  	[smem:$0x3FB7] =	sst s0;
	s0 =	simm.s32 @!p2 $0x0  }
0x16: {  	s3 =	sld [smem:$0x3FDB];
	s0 =	simm.s32 @p2 $0x1  }
0x17: {  	s4 =	simm.s32 $0x1BF5;
	[smem:$0x3FB9] =	sst s0  }
0x18: {  	s0 =	sld [smem:$0x3F9C];
	_ =	swait.ge [sflag:s4], $0x0  }
0x19: {  	s7 =	sld [smem:$0x3F9D]  }
0x1a: {  	s8 =	sadd.s32 $0xFFFFE003, lr  }
0x1b: {  	s9 =	sadd.s32 $0xFFFFFEF7, lr;
	s5 =	simm.s32 $0xFFFFFFFF;
	p2 =	slt.u32 s8, $0xFFFFF086  }
0x1c: {  	p1 =	slt.u32 s9, $0xF7A;
	s5 =	simm.s32 @!p2 $0x0  }
0x1d: {  	s5 =	simm.s32 @p1 $0x1;
	p0 =	seq.s32 s7, s2  }
0x1e: {  	s7 =	smul.u32 @!p0 $0xF7A, s2;
	p2 =	seq.s32 @!p0 s5, $0x0  }
0x1f: {  	s9 =	smul.u32 $0xF7A, s1;
	s8 =	simm.s32 @!p0 $0x1BF5;
	p2 =	por !p2, p0  }
0x20: {  	[sflag:s8] =	ssyncset.s32 @!p0 $0xFFFFF086;
	s6 =	sadd.s32 @!p0 s3, s7;
	s7 =	simm.s32 @!p0 $0x108  }
0x21: {  	s3 =	sadd.s32 s3, s9;
	s6 =	sadd.s32 @!p0 $0x88, s6;
	s7 =	simm.s32 @p2 $0x1082  }
0x22: {  	[simem:s7], [sflag:s8] =	dma.local @!p0 [hbm:s6], $0xF7A  }
0x23: {  	s9 =	sor.u32 $0xD0000000, s2;
	s6 =	simm.s32 $0x108;
	_ =	swait.ge @!p0 [sflag:s8], $0x0  }
0x24: {  	s3 =	sadd.s32 $0x88, s3;
	s6 =	simm.s32 @!p1 $0x1082;
	[sflag:s4] =	ssyncset.s32 $0xFFFFF086  }
0x25: {  	[simem:s6], [sflag:s4] =	dma.local [hbm:s3], $0xF7A  }
0x26: {  	[smem:$0x3F9D] =	sst s1;
	(tag) =	ssettag s2;
	_ =	strace s9  }
0x27: {  	s1 =	sld [smem:$0x3FAD]  }
0x28: {  	s2 =	sld [smem:$0x3FAE]  }
0x29: {  	s4 =	sld [smem:$0x3FB0]  }
0x2a: {  	p0 =	seq.s32 s5, $0x0;
	s5 =	sld [smem:$0x3FB1]  }
0x2b: {  	s6 =	sld [smem:$0x3FB2]  }
0x2c: {  	s7 =	sld [smem:$0x3FB3]  }
0x2d: {  	s3 =	simm.s32 $0x108;
	s8 =	sld [smem:$0x3FB4]  }
0x2e: {  	s3 =	simm.s32 @!p0 $0x1082;
	s9 =	sld [smem:$0x3FB5]  }
0x2f: {  	lr =	sadd.s32 s0, s3;
	s0 =	sld [smem:$0x3FAC]  }
0x30: {  	s3 =	sld [smem:$0x3FAF]  }
0x31: {  	[smem:$0x3FB8] =	sst s10  }
0x32: {  	s10 =	sld [smem:$0x3FB6];
	_ =	sdelay $0x3  }
0x33: {  	p0 =	seq.s32 s10, $0x1;
	s10 =	sld [smem:$0x3FB8];
	_ =	sdelay $0x3  }
0x34: {  	[smem:$0x3FB8] =	sst s10  }
0x35: {  	s10 =	sld [smem:$0x3FB7];
	_ =	sdelay $0x3  }
0x36: {  	p1 =	seq.s32 s10, $0x1;
	s10 =	sld [smem:$0x3FB8];
	_ =	sdelay $0x3  }
0x37: {  	[smem:$0x3FB8] =	sst s10  }
0x38: {  	s10 =	sld [smem:$0x3FB9]  }
0x39: {  	_ = 	snop;
	(pc) =	sbr.ind lr, $3  }
0x3a: {  	_ = 	snop  }
0x3b: {  	_ = 	snop  }
0x3c: {  	p2 =	seq.s32 s10, $0x1;
	s10 =	sld [smem:$0x3FB8]  }
0x3d: {  	_ =	shalt  }
0x3e: {  	_ =	shalt  }
0x3f: {  	_ =	shalt  }
0x40: {  	_ =	shalt  }
0x41: {  	_ =	shalt  }
0x42: {  	_ =	shalt  }
0x43: {  	_ =	shalt  }
0x44: {  	_ =	shalt  }
0x45: {  	_ =	shalt  }
0x46: {  	_ =	shalt  }
0x47: {  	_ =	shalt  }
0x48: {  	_ =	shalt  }
0x49: {  	_ =	shalt  }
0x4a: {  	_ =	shalt  }
0x4b: {  	_ =	shalt  }
0x4c: {  	_ =	shalt  }
0x4d: {  	_ =	shalt  }
0x4e: {  	_ =	shalt  }
0x4f: {  	_ =	shalt  }
0x50: {  	_ =	shalt  }
0x51: {  	_ =	shalt  }
0x52: {  	_ =	shalt  }
0x53: {  	_ =	shalt  }
0x54: {  	_ =	shalt  }
0x55: {  	_ =	shalt  }
0x56: {  	_ =	shalt  }
0x57: {  	_ =	shalt  }
0x58: {  	_ =	shalt  }
0x59: {  	_ =	shalt  }
0x5a: {  	_ =	shalt  }
0x5b: {  	_ =	shalt  }
0x5c: {  	_ =	shalt  }
0x5d: {  	_ =	shalt  }
0x5e: {  	_ =	shalt  }
0x5f: {  	_ =	shalt  }
0x60: {  	_ =	shalt  }
0x61: {  	_ =	shalt  }
0x62: {  	_ =	shalt  }
0x63: {  	_ =	shalt  }
0x64: {  	_ =	shalt  }
0x65: {  	_ =	shalt  }
0x66: {  	_ =	shalt  }
0x67: {  	_ =	shalt  }
0x68: {  	_ =	shalt  }
0x69: {  	_ =	shalt  }
0x6a: {  	_ =	shalt  }
0x6b: {  	_ =	shalt  }
0x6c: {  	_ =	shalt  }
0x6d: {  	_ =	shalt  }
0x6e: {  	_ =	shalt  }
0x6f: {  	_ =	shalt  }
0x70: {  	_ =	shalt  }
0x71: {  	_ =	shalt  }
0x72: {  	_ =	shalt  }
0x73: {  	_ =	shalt  }
0x74: {  	_ =	shalt  }
0x75: {  	_ =	shalt  }
0x76: {  	_ =	shalt  }
0x77: {  	_ =	shalt  }
0x78: {  	_ =	shalt  }
0x79: {  	_ =	shalt  }
0x7a: {  	_ =	shalt  }
0x7b: {  	_ =	shalt  }
0x7c: {  	_ =	shalt  }
0x7d: {  	_ =	shalt  }
0x7e: {  	_ =	shalt  }
0x7f: {  	_ =	shalt  }
0x80: {  	_ =	shalt  }
0x81: {  	_ =	shalt  }
0x82: {  	_ =	shalt  }
0x83: {  	_ =	shalt  }
0x84: {  	_ =	shalt  }
0x85: {  	_ =	shalt  }
0x86: {  	_ =	shalt  }
0x87: {  	_ =	shalt  }
.Lfunc_end0:
.L_simem_size_0:
called_computation_lowered:
.L_overlay_start_0:
0x88: {  	s2 =	sld [smem:$0x3FD9]  }
0x89: {  	s3 =	sld [smem:$0x3FFE];
	_ =	sdelay $0x1  }
0x8a: {  	s1 =	srdreg.scid  }
0x8b: {  	s0 =	sand.u32 $0x1, s1  }
0x8c: {  	s17 =	sshll.u32 s0, $0xA;
	s2 =	sadd.s32 s3, s2  }
0x8d: {  	s2 =	sadd.s32 s2, s17  }
0x8e: {  	[smem:$0x3FC4] =	sst s2  }
0x8f: {  	_ = 	snop  }
0x90: {  	s2 =	sld [smem:$0x3FC9]  }
0x91: {  	s18 =	sld [smem:$0x3FC8]  }
0x92: {  	s4 =	sld [smem:$0x3FD0];
	(tm) =	ssettm $0x1  }
0x93: {  	s5 =	sld [smem:$0x3FFB];
	_ =	sdelay $0x3  }
0x94: {  	_ =	strace s5  }
0x95: {  	s5 =	sld [smem:$0x3FFC];
	_ =	sdelay $0x3  }
0x96: {  	_ =	strace s5  }
0x97: {  	s5 =	sld [smem:$0x3FFD];
	_ =	sdelay $0x3  }
0x98: {  	_ =	strace s5  }
0x99: {  	_ =	strace $0x8FFFFFFF  }
0x9a: {  	s19 =	sld [smem:$0x3FDB];
	_ =	sdelay $0x1  }
0x9b: {  	s6 =	simm.s32 $_scs_section_size  }
0x9c: {  	s7 =	simm.s32 $_size__tile_overlayer_lowered;
	s8 =	simm.s32 $_tile_overlayer_lowered  }
0x9d: {  	s22 =	simm.s32 $0x1BFF;
	s21 =	sshll.u32 s8, $0x1;
	s5 =	sadd.s32 s6, s19  }
0x9e: {  	s9 =	simm.s32 $0x0;
	s20 =	sshll.u32 s7, $0x1;
	s7 =	sadd.s32 s21, s5  }
0x9f: {  	[timem:s9], [sflag:s22] =	dma.local [hbm:s7], s20  }
0xa0: {  	_ =	swait.ge [sflag:s22], s20  }
0xa1: {  	s6 =	ssub.s32 $0x0, s20;
	[sflag:s22] =	ssyncset.done $0x0  }
0xa2: {  	[sflag:s22] =	ssyncadd.s32 s6;
	_ =	sdelay $0x1  }
0xa3: {  	s23 =	simm.s32 $0x1B8B  }
0xa4: {  	_ =	swait.ge [sflag:s23], $0x1  }
0xa5: {  	[sflag:s23] =	ssyncset.done $0x0  }
0xa6: {  	s25 =	simm.s32 $0x1B8E;
	s24 =	sld [smem:$0x3FFE];
	[sflag:s23] =	ssyncadd.s32 $0xFFFFFFFF  }
0xa7: {  	s26 =	simm.s32 $execute0_lowered;
	[smem:$0x3FD2] =	sst s25  }
0xa8: {  	s7 =	sshll.u32 s26, $0x1;
	_ =	strace $0x80000046;
	[dreg:$0x1] =	wrdreg $0xFFFFFFFF  }
0xa9: {  	s28 =	simm.s32 $_size_execute0_lowered;
	s5 =	sadd.s32 s5, s7;
	[dreg:$0x0] =	wrdreg $0x0  }
0xaa: {  	s7 =	sshll.u32 s28, $0x1;
	[dreg:$0x2] =	wrdreg s5  }
0xab: {  	[dreg:$0x3] =	wrdreg s7  }
0xac: {  	[dreg:$0x4] =	wrdreg $0xC0  }
0xad: {  	_ =	task [dreg:s9], $0x5FFFF  }
0xae: {  	[dreg:$0x1] =	wrdreg $0xFFFFFFFF  }
0xaf: {  	[dreg:$0x0] =	wrdreg $0x60  }
0xb0: {  	[dreg:$0x2] =	wrdreg s2  }
0xb1: {  	[dreg:$0x3] =	wrdreg s18  }
0xb2: {  	[dreg:$0x4] =	wrdreg s4  }
0xb3: {  	[dreg:$0x5] =	wrdreg s24  }
0xb4: {  	[dreg:$0x6] =	wrdreg $0x9  }
0xb5: {  	_ =	task.clear_ibuf [dreg:s9], $0x7FFFF;
	_ =	strace $0x90000046  }
0xb6: {  	s29 =	simm.s32 $0x9;
	_ =	strace $0x80000048  }
0xb7: {  	_ =	swait.ge [sflag:s29], $0x1  }
0xb8: {  	[sflag:s29] =	ssyncadd.s32 $0xFFFFFFFF  }
0xb9: {  	_ =	strace $0x90000048  }
0xba: {  	_ =	sfence  }
0xbb: {  	s30 =	sld [smem:$0x0];
	_ =	sdelay $0x2  }
0xbc: {  	s31 =	sshll.u32 s1, $0xD;
	s1 =	sshrl.u32 s1, $0x2  }
0xbd: {  	s3 =	sand.u32 $0x4000, s31;
	s1 =	sadd.s32 s1, s30  }
0xbe: {  	s0 =	sor.u32 s3, s0;
	s1 =	sshll.u32 s1, $0x11  }
0xbf: {  	s0 =	sor.u32 s1, s0  }
0xc0: {  	s0 =	sadd.s32 $0x8F2B, s0  }
0xc1: {  	[sflag:s0] =	ssyncadd.remote.s32 $0x1  }
0xc2: {  	_ =	sfence.sel $0xFFFF  }
0xc3: {  	[dreg:$0x0] =	wrdreg $0xFFFFFFFF;
	(pc) =	sbr.abs _section_cstart, $3  }
0xc4: {  	[dreg:$0x1] =	wrdreg $0xFFFFFFFF  }
0xc5: {  	_ =	task.clear_ibuf [dreg:s9], $0x2FFFF;
	_ =	strace $0x9FFFFFFF  }
0xc6: {  	(tm) =	ssettm $0x7FFFFFFF  }
0xc7: {  	_ =	shalt  }
tec
execute0_lowered:
.L_overlay_start_1:
0x0: {  	(tag) =	ssettag $0x1  }
0x1: {  	s1 =	rddreg [dreg:$0x0]  }
0x2: {  	s3 =	rddreg [dreg:$0x1]  }
0x3: {  	s5 =	rddreg [dreg:$0x2]  }
0x4: {  	s2 =	srdreg.scid;
	s0 =	stileid.u32  }
0x5: {  	s15 =	rddreg [dreg:$0x3];
	s17 =	sand.u32 $0x1, s2;
	s6 =	sshll.u32 s0, $0x1  }
0x6: {  	s4 =	simm.s32 $0x0;
	s2 =	rddreg [dreg:$0x4];
	s7 =	sor.u32 s17, s6  }
0x7: {  	[smem:$0x7FF] =	sst s4;
	s6 =	sshll.u32 s7, $0xC  }
0x8: {  	_ =	strace $0x80000047;
	s6 =	sadd.s32 s5, s6;
	s5 =	simm.s32 $0x3  }
0x9: {  	[tilespmem:s4], [sflag:$0x3] =	stream.linear.gather [hbm4b:s6+s4], $0x8000, $0x38;
	[tilespmem:$0x10000] =	vst v63  }
0xa: {  	_ =	swait.ge [sflag:s5], $0x8000  }
0xb: {  	s8 =	simm.s32 $0x8000;
	s10 =	sshll.u32 s0, $0xD;
	[sflag:s5] =	ssyncset.done $0x0  }
0xc: {  	s9 =	sshll.u32 s7, $0x5;
	s7 =	simm.s32 $0x4000;
	[sflag:s5] =	ssyncadd.s32 $0xFFFF8000  }
0xd: {  	[tilespmem:s8], [sflag:$0x1] =	stream.indirect.gather [hbm4b:s1+s7], $0x1, s4, s7, $0xb8;
	[tilespmem:$0x10000] =	vst v63  }
0xe: {  	s11 =	sor.u32 s10, s9;
	s9 =	simm.s32 $0xC000;
	s10 =	simm.s32 $0x1  }
0xf: {  	[tilespmem:s9], [sflag:$0x2] =	stream.indirect.gather [hbm4b:s3+s7], $0x1, s4, s7, $0xb8;
	[tilespmem:$0x10000] =	vst v63  }
0x10: {  	s12 =	simm.s32 $0x80;
	_ =	swait.ge [sflag:s10], $0x4000  }
0x11: {  	s16 =	sadd.s32 $0xE00, s15;
	s18 =	sand.u32 $0x1C060, s11;
	[sflag:s10] =	ssyncset.done $0x0  }
0x12: {  	s13 =	simm.s32 $0x400;
	s11 =	sadd.s32 s16, s18;
	[sflag:s10] =	ssyncadd.s32 $0xFFFFC000  }
0x13: {  	[hbm4b:s11+s12] =	stream.strided.scatter [tilespmem:s8], [sflag:$0x3], $0x4000, s13, s12, $0x38;
	[tilespmem:$0x10000] =	vst v63  }
0x14: {  	_ =	swait.ge [sflag:s5], $0x4000  }
0x15: {  	[sflag:s5] =	ssyncset.done $0x0  }
0x16: {  	s14 =	simm.s32 $0x2;
	[sflag:s5] =	ssyncadd.s32 $0xFFFFC000  }
0x17: {  	_ =	swait.ge [sflag:s14], $0x4000  }
0x18: {  	s19 =	sadd.s32 $0x20E00, s15;
	[sflag:s14] =	ssyncset.done $0x0  }
0x19: {  	s15 =	sadd.s32 s19, s18;
	[sflag:s14] =	ssyncadd.s32 $0xFFFFC000  }
0x1a: {  	[hbm4b:s15+s12] =	stream.strided.scatter [tilespmem:s9], [sflag:$0x3], $0x4000, s13, s12, $0x38;
	[tilespmem:$0x10000] =	vst v63  }
0x1b: {  	_ =	swait.ge [sflag:s5], $0x4000  }
0x1c: {  	[sflag:s5] =	ssyncset.done $0x0  }
0x1d: {  	[sflag:s5] =	ssyncadd.s32 $0xFFFFC000  }
0x1e: {  	[tilespmem:s8], [sflag:$0x1] =	stream.indirect.gather [hbm4b:s1+s7], $0x1, s7, s7, $0xb8;
	[tilespmem:$0x10000] =	vst v63  }
0x1f: {  	_ = 	snop  }
0x20: {  	[tilespmem:s9], [sflag:$0x2] =	stream.indirect.gather [hbm4b:s3+s7], $0x1, s7, s7, $0xb8;
	[tilespmem:$0x10000] =	vst v63  }
0x21: {  	_ =	swait.ge [sflag:s10], $0x4000  }
0x22: {  	s18 =	sor.u32 $0x10, s18;
	[sflag:s10] =	ssyncset.done $0x0  }
0x23: {  	s17 =	ssub.s32 $0x2, s17;
	s16 =	sadd.s32 s16, s18;
	[sflag:s10] =	ssyncadd.s32 $0xFFFFC000  }
0x24: {  	[hbm4b:s16+s12] =	stream.strided.scatter [tilespmem:s8], [sflag:$0x3], $0x4000, s13, s12, $0x38;
	[tilespmem:$0x10000] =	vst v63  }
0x25: {  	s20 =	sshrl.u32 s17, $0x1;
	_ =	swait.ge [sflag:s5], $0x4000  }
0x26: {  	s20 =	ssub.s32 s17, s20;
	[sflag:s5] =	ssyncset.done $0x0  }
0x27: {  	s31 =	smax.u32 s20, $0x1;
	[sflag:s5] =	ssyncadd.s32 $0xFFFFC000  }
0x28: {  	p0 =	sne.s32 s31, $0x1;
	_ =	swait.ge [sflag:s14], $0x4000  }
.Ltmp0:
0x29: {  	[sflag:s14] =	ssyncset.done $0x0;
	(pc) =	sbr.rel @!p0 .LBB2_2-.Ltmp0, $4  }
0x2a: {  	s17 =	sadd.s32 s19, s18;
	[sflag:s14] =	ssyncadd.s32 $0xFFFFC000  }
0x2b: {  	[hbm4b:s17+s12] =	stream.strided.scatter [tilespmem:s9], [sflag:$0x3], $0x4000, s13, s12, $0x38;
	[tilespmem:$0x10000] =	vst v63  }
0x2c: {  	_ =	swait.ge [sflag:s5], $0x4000  }
0x2d: {  	s18 =	sadd.s32 $0xFFFFFFFF, s31;
	[sflag:s5] =	ssyncset.done $0x0  }
.LBB2_1:
0x2e: {  	p0 =	sne.s32 s18, $0x1;
	s18 =	sadd.s32 $0xFFFFFFFF, s18;
	[sflag:s5] =	ssyncadd.s32 $0xFFFFC000  }
0x2f: {  	[tilespmem:s4], [sflag:$0x3] =	stream.linear.gather [hbm4b:s6+s4], $0x8000, $0x38;
	[tilespmem:$0x10000] =	vst v63  }
0x30: {  	_ =	swait.ge [sflag:s5], $0x8000  }
0x31: {  	[sflag:s5] =	ssyncset.done $0x0  }
0x32: {  	[sflag:s5] =	ssyncadd.s32 $0xFFFF8000  }
0x33: {  	[tilespmem:s8], [sflag:$0x1] =	stream.indirect.gather [hbm4b:s1+s7], $0x1, s4, s7, $0xb8;
	[tilespmem:$0x10000] =	vst v63  }
0x34: {  	_ = 	snop  }
0x35: {  	[tilespmem:s9], [sflag:$0x2] =	stream.indirect.gather [hbm4b:s3+s7], $0x1, s4, s7, $0xb8;
	[tilespmem:$0x10000] =	vst v63  }
0x36: {  	_ =	swait.ge [sflag:s10], $0x4000  }
0x37: {  	[sflag:s10] =	ssyncset.done $0x0  }
0x38: {  	[sflag:s10] =	ssyncadd.s32 $0xFFFFC000  }
0x39: {  	[hbm4b:s11+s12] =	stream.strided.scatter [tilespmem:s8], [sflag:$0x3], $0x4000, s13, s12, $0x38;
	[tilespmem:$0x10000] =	vst v63  }
0x3a: {  	_ =	swait.ge [sflag:s5], $0x4000  }
0x3b: {  	[sflag:s5] =	ssyncset.done $0x0  }
0x3c: {  	[sflag:s5] =	ssyncadd.s32 $0xFFFFC000  }
0x3d: {  	_ =	swait.ge [sflag:s14], $0x4000  }
0x3e: {  	[sflag:s14] =	ssyncset.done $0x0  }
0x3f: {  	[sflag:s14] =	ssyncadd.s32 $0xFFFFC000  }
0x40: {  	[hbm4b:s15+s12] =	stream.strided.scatter [tilespmem:s9], [sflag:$0x3], $0x4000, s13, s12, $0x38;
	[tilespmem:$0x10000] =	vst v63  }
0x41: {  	_ =	swait.ge [sflag:s5], $0x4000  }
0x42: {  	[sflag:s5] =	ssyncset.done $0x0  }
0x43: {  	[sflag:s5] =	ssyncadd.s32 $0xFFFFC000  }
0x44: {  	[tilespmem:s8], [sflag:$0x1] =	stream.indirect.gather [hbm4b:s1+s7], $0x1, s7, s7, $0xb8;
	[tilespmem:$0x10000] =	vst v63  }
0x45: {  	_ = 	snop  }
0x46: {  	[tilespmem:s9], [sflag:$0x2] =	stream.indirect.gather [hbm4b:s3+s7], $0x1, s7, s7, $0xb8;
	[tilespmem:$0x10000] =	vst v63  }
0x47: {  	_ =	swait.ge [sflag:s10], $0x4000  }
0x48: {  	[sflag:s10] =	ssyncset.done $0x0  }
0x49: {  	[sflag:s10] =	ssyncadd.s32 $0xFFFFC000  }
0x4a: {  	[hbm4b:s16+s12] =	stream.strided.scatter [tilespmem:s8], [sflag:$0x3], $0x4000, s13, s12, $0x38;
	[tilespmem:$0x10000] =	vst v63  }
0x4b: {  	_ =	swait.ge [sflag:s5], $0x4000  }
0x4c: {  	[sflag:s5] =	ssyncset.done $0x0  }
0x4d: {  	[sflag:s5] =	ssyncadd.s32 $0xFFFFC000  }
0x4e: {  	_ =	swait.ge [sflag:s14], $0x4000  }
.Ltmp1:
0x4f: {  	[sflag:s14] =	ssyncset.done $0x0;
	(pc) =	sbr.rel @p0 .LBB2_1-.Ltmp1, $4  }
0x50: {  	[sflag:s14] =	ssyncadd.s32 $0xFFFFC000  }
0x51: {  	[hbm4b:s17+s12] =	stream.strided.scatter [tilespmem:s9], [sflag:$0x3], $0x4000, s13, s12, $0x38;
	[tilespmem:$0x10000] =	vst v63  }
0x52: {  	_ =	swait.ge [sflag:s5], $0x4000  }
0x53: {  	[sflag:s5] =	ssyncset.done $0x0  }
.LBB2_2:
0x54: {  	[sflag:s5] =	ssyncadd.s32 $0xFFFFC000  }
0x55: {  	_ =	sfence.sel $0x180000  }
0x56: {  	[bflag:$0x0] =	sbarrier.arrive $0xFFFF  }
0x57: {  	p0 =	sne.s32 s0, $0x0;
	_ =	strace $0x90000047  }
0x58: {  	s0 =	sadd.s32 @!p0 $0x100000, s2;
	[bflag:$0x2] =	sbarrier.arrive $0xFFFF  }
0x59: {  	[sflag:s0] =	ssyncadd.tile.s32 @!p0 $0x1;
	_ =	shalt  }
.Lfunc_end2:
_tile_overlayer_lowered:
.L_overlay_start_2:
0x5a: {  	(tag) =	ssettag $0x2  }
0x5b: {  	s0 =	rddreg [dreg:$0x0];
	s2 =	stileid.u32  }
0x5c: {  	s1 =	rddreg [dreg:$0x1];
	p0 =	sne.s32 s2, $0x0  }
0x5d: {  	s3 =	rddreg [dreg:$0x2];
	[bflag:$0x3] =	sbarrier.arrive $0xFFFF;
	s2 =	simm.s32 @!p0 $0x1C03  }
0x5e: {  	[timem:s3], [sflag:s2] =	dma.local @!p0 [hbm:s0], s1  }
0x5f: {  	s0 =	simm.s32 @!p0 $0x3  }
0x60: {  	_ =	swait.ge @!p0 [sflag:s0], s1  }
0x61: {  	s1 =	ssub.s32 @!p0 $0x0, s1;
	[sflag:s0] =	ssyncset.done @!p0 $0x0  }
0x62: {  	[sflag:s0] =	ssyncadd.s32 @!p0 s1  }
0x63: {  	[bflag:$0x3] =	sbarrier.arrive $0xFFFF  }
0x64: {  	_ =	shalt  }

</sc_bundles>
